<compile_context>
chip_gen: v7x
topology: tpu7x:2x2x1
jax: 0.10.2.dev20260603
libtpu: 0.0.44.dev20260713+nightly
codegen_flags: <defaults>
</compile_context>

<pallas_src>
import functools

import jax
import jax.numpy as jnp
from jax import lax
from jax.experimental import pallas as pl
from jax.experimental.pallas import tpu as pltpu
from jax.experimental.pallas import tpu_sc as plsc

_NC = 2
_NS = 16
_NW = _NC * _NS

_B = 4096
_BPW = _B // _NW


def _make_sc_kernel():
    @functools.partial(
        pl.kernel,
        mesh=plsc.VectorSubcoreMesh(core_axis_name="c", subcore_axis_name="s"),
        out_type=[
            jax.ShapeDtypeStruct((_B,), jnp.int32),
            jax.ShapeDtypeStruct((_B,), jnp.int32),
        ],
        scratch_types=[
            pltpu.VMEM_SHARED((_B,), jnp.int32),
            pltpu.VMEM_SHARED((_B,), jnp.int32),
            pltpu.VMEM((_BPW,), jnp.int32),
            pltpu.VMEM((_BPW,), jnp.int32),
            pltpu.VMEM((_BPW,), jnp.int32),
            pltpu.VMEM((_BPW,), jnp.int32),
            pltpu.VMEM((_BPW,), jnp.int32),
            pltpu.SemaphoreType.DMA,
            pltpu.SemaphoreType.DMA,
            pltpu.SemaphoreType.DMA,
        ],
    )
    def k(ptr_hbm, lo_hbm, hi_hbm, out_lo, out_hi,
          booklo_s, bookhi_s, idx_v, slo_v, shi_v, dlo_v, dhi_v,
          sem0, sem1, sem2):
        wid = lax.axis_index("c") * _NS + lax.axis_index("s")
        base = wid * _BPW
        ptr_cp = pltpu.async_copy(ptr_hbm.at[pl.ds(base, _BPW)], idx_v, sem0)
        lo_cp = pltpu.async_copy(lo_hbm.at[pl.ds(base, _BPW)], slo_v, sem1)
        hi_cp = pltpu.async_copy(hi_hbm.at[pl.ds(base, _BPW)], shi_v, sem2)
        ptr_cp.wait()
        lo_cp.wait()
        hi_cp.wait()
        blo_cp = pltpu.async_copy(slo_v, booklo_s.at[idx_v], sem1)
        bhi_cp = pltpu.async_copy(shi_v, bookhi_s.at[idx_v], sem2)
        blo_cp.wait()
        bhi_cp.wait()
        plsc.subcore_barrier()
        dlo_cp = pltpu.async_copy(booklo_s.at[idx_v], dlo_v, sem1)
        dhi_cp = pltpu.async_copy(bookhi_s.at[idx_v], dhi_v, sem2)
        dlo_cp.wait()
        dhi_cp.wait()
        olo_cp = pltpu.async_copy(dlo_v, out_lo.at[pl.ds(base, _BPW)], sem1)
        ohi_cp = pltpu.async_copy(dhi_v, out_hi.at[pl.ds(base, _BPW)], sem2)
        olo_cp.wait()
        ohi_cp.wait()

    return k


_sc_kernel = _make_sc_kernel()


def kernel(memory_addresses, pointer_ids):
    reserved = memory_addresses[:_B]
    lo = reserved.astype(jnp.int32)
    hi = (reserved >> 32).astype(jnp.int32)
    ptr = pointer_ids.astype(jnp.int32)
    out_lo, out_hi = _sc_kernel(ptr, lo, hi)
    pair = jnp.stack([out_lo, out_hi], axis=-1)
    return lax.bitcast_convert_type(pair, jnp.int64)

# --- scband reference (transcript-rebuilt; emitter-appended) ---
"""Pipeline reference for scband-address-space-10307921510745 (READ-ONLY COPY).

The authoritative reference and input builder live on the scoring server;
editing this copy changes nothing except your own understanding.
"""

import jax, jax.numpy as jnp
import numpy as np

jax.config.update("jax_enable_x64", True)

M = 65536
B = 4096

def setup_inputs(seed: int = 0) -> dict:
    key = jax.random.key(seed)
    # constructor arg: 1-D int64 tensor of raw memory addresses
    memory_addresses = jnp.arange(M, dtype=jnp.int64)
    # pointer ids to malloc then dereference; must be unique and >= 0
    pointer_ids = jnp.arange(B, dtype=jnp.int64)
    return {"memory_addresses": memory_addresses, "pointer_ids": pointer_ids}


def reference(memory_addresses, pointer_ids):
    # --- __init__: build the 3-row address book [index, key, address] ---
    Mloc = memory_addresses.shape[0]
    index_row = jnp.arange(Mloc, dtype=jnp.int64)
    key_row = -jnp.ones_like(memory_addresses)

    # --- malloc(pointer_ids): all slots initially free, reserve the first B ---
    n = pointer_ids.shape[0]
    free_addresses = index_row  # key_row < 0 everywhere at start
    reserving = free_addresses[:n]
    key_row = key_row.at[reserving].set(pointer_ids)

    # --- dereference(pointer_ids) ---
    used_mask = key_row >= 0
    # exactly n slots are used after malloc
    used_addr_indices = jnp.nonzero(used_mask, size=n)[0].astype(jnp.int64)
    used_keys = key_row[used_addr_indices]
    # usage mesh: [B, U] comparison, faithful to the torch broadcast
    broadcast_keys = used_keys[None, :]
    broadcast_pointers = pointer_ids[:, None]
    usage_mesh = broadcast_keys == broadcast_pointers
    reference_count = usage_mesh.sum(axis=-1)
    # sanity (mirrors NullPtr / BadPtr checks; all valid by construction)
    _ = reference_count
    # masked_select with exactly one hit per row -> select the matching index
    chosen_addr_indices = jnp.sum(
        jnp.where(usage_mesh, used_addr_indices[None, :], jnp.int64(0)), axis=-1
    )
    chosen_addresses = memory_addresses[chosen_addr_indices]
    return chosen_addresses

if __name__ == "__main__":
    import jax
    _d = setup_inputs()
    print(jax.jit(kernel)(*tuple(_d.values())))

</pallas_src>

<mosaic_0001>
#map = affine_map<(d0, d1) -> (0)>
module attributes {stable_mosaic.version = 14 : i64} {
  func.func @k(%arg0: i32, %arg1: i32, %arg2: memref<4096xi32, #tpu.memory_space<hbm>>, %arg3: memref<4096xi32, #tpu.memory_space<hbm>>, %arg4: memref<4096xi32, #tpu.memory_space<hbm>>, %arg5: memref<4096xi32, #tpu.memory_space<hbm>>, %arg6: memref<4096xi32, #tpu.memory_space<hbm>>, %arg7: memref<4096xi32, #tpu.memory_space<vmem_shared>>, %arg8: memref<4096xi32, #tpu.memory_space<vmem_shared>>, %arg9: memref<128xi32, #tpu.memory_space<vmem>>, %arg10: memref<128xi32, #tpu.memory_space<vmem>>, %arg11: memref<128xi32, #tpu.memory_space<vmem>>, %arg12: memref<128xi32, #tpu.memory_space<vmem>>, %arg13: memref<128xi32, #tpu.memory_space<vmem>>, %arg14: memref<!tpu.dma_semaphore, #tpu.memory_space<semaphore_mem>>, %arg15: memref<!tpu.dma_semaphore, #tpu.memory_space<semaphore_mem>>, %arg16: memref<!tpu.dma_semaphore, #tpu.memory_space<semaphore_mem>>) attributes {dimension_semantics = [#tpu.dimension_semantics<core_parallel>, #tpu.dimension_semantics<subcore_parallel>], iteration_bounds = array<i64: 2, 16>, scalar_prefetch = 0 : i64, scratch_operands = 10 : i64, tpu.core_type = #tpu.core_type<sc_vector_subcore>, window_params = [{transform_indices = #map}, {transform_indices = #map}, {transform_indices = #map}, {transform_indices = #map}, {transform_indices = #map}]} {
    %mul3A = arith.constant 16 : i32
    %mul3A_0 = arith.muli %arg0, %mul3A : i32
    %add3A = arith.addi %mul3A_0, %arg1 : i32
    %mul3A_1 = arith.constant 128 : i32
    %mul3A_2 = arith.muli %add3A, %mul3A_1 : i32
    %dma_start3A = tpu.memref_slice %arg2[%mul3A_2] : memref<4096xi32, #tpu.memory_space<hbm>> -> memref<128xi32, #tpu.memory_space<hbm>>
    %dma_start3A_3 = tpu.memref_slice %arg2[%mul3A_2] : memref<4096xi32, #tpu.memory_space<hbm>> -> memref<128xi32, #tpu.memory_space<hbm>>
    tpu.enqueue_dma source(%dma_start3A_3 : memref<128xi32, #tpu.memory_space<hbm>>) target(%arg9 : memref<128xi32, #tpu.memory_space<vmem>>) target_semaphore(%arg14 : memref<!tpu.dma_semaphore, #tpu.memory_space<semaphore_mem>>)
    %dma_start3A_4 = tpu.memref_slice %arg3[%mul3A_2] : memref<4096xi32, #tpu.memory_space<hbm>> -> memref<128xi32, #tpu.memory_space<hbm>>
    %dma_start3A_5 = tpu.memref_slice %arg3[%mul3A_2] : memref<4096xi32, #tpu.memory_space<hbm>> -> memref<128xi32, #tpu.memory_space<hbm>>
    tpu.enqueue_dma source(%dma_start3A_5 : memref<128xi32, #tpu.memory_space<hbm>>) target(%arg10 : memref<128xi32, #tpu.memory_space<vmem>>) target_semaphore(%arg15 : memref<!tpu.dma_semaphore, #tpu.memory_space<semaphore_mem>>)
    %dma_start3A_6 = tpu.memref_slice %arg4[%mul3A_2] : memref<4096xi32, #tpu.memory_space<hbm>> -> memref<128xi32, #tpu.memory_space<hbm>>
    %dma_start3A_7 = tpu.memref_slice %arg4[%mul3A_2] : memref<4096xi32, #tpu.memory_space<hbm>> -> memref<128xi32, #tpu.memory_space<hbm>>
    tpu.enqueue_dma source(%dma_start3A_7 : memref<128xi32, #tpu.memory_space<hbm>>) target(%arg11 : memref<128xi32, #tpu.memory_space<vmem>>) target_semaphore(%arg16 : memref<!tpu.dma_semaphore, #tpu.memory_space<semaphore_mem>>)
    %dma_wait3A = tpu.memref_slice %arg2[%mul3A_2] : memref<4096xi32, #tpu.memory_space<hbm>> -> memref<128xi32, #tpu.memory_space<hbm>>
    %dma_wait3A_8 = tpu.memref_slice %arg2[%mul3A_2] : memref<4096xi32, #tpu.memory_space<hbm>> -> memref<128xi32, #tpu.memory_space<hbm>>
    tpu.wait_dma2 semaphore(%arg14 : memref<!tpu.dma_semaphore, #tpu.memory_space<semaphore_mem>>) src(%dma_wait3A_8 : memref<128xi32, #tpu.memory_space<hbm>>) dst(%arg9 : memref<128xi32, #tpu.memory_space<vmem>>)
    %dma_wait3A_9 = tpu.memref_slice %arg3[%mul3A_2] : memref<4096xi32, #tpu.memory_space<hbm>> -> memref<128xi32, #tpu.memory_space<hbm>>
    %dma_wait3A_10 = tpu.memref_slice %arg3[%mul3A_2] : memref<4096xi32, #tpu.memory_space<hbm>> -> memref<128xi32, #tpu.memory_space<hbm>>
    tpu.wait_dma2 semaphore(%arg15 : memref<!tpu.dma_semaphore, #tpu.memory_space<semaphore_mem>>) src(%dma_wait3A_10 : memref<128xi32, #tpu.memory_space<hbm>>) dst(%arg10 : memref<128xi32, #tpu.memory_space<vmem>>)
    %dma_wait3A_11 = tpu.memref_slice %arg4[%mul3A_2] : memref<4096xi32, #tpu.memory_space<hbm>> -> memref<128xi32, #tpu.memory_space<hbm>>
    %dma_wait3A_12 = tpu.memref_slice %arg4[%mul3A_2] : memref<4096xi32, #tpu.memory_space<hbm>> -> memref<128xi32, #tpu.memory_space<hbm>>
    tpu.wait_dma2 semaphore(%arg16 : memref<!tpu.dma_semaphore, #tpu.memory_space<semaphore_mem>>) src(%dma_wait3A_12 : memref<128xi32, #tpu.memory_space<hbm>>) dst(%arg11 : memref<128xi32, #tpu.memory_space<vmem>>)
    %dma_start3A_13 = arith.constant 0 : i32
    %dma_start3A_14 = tpu.memref_slice %arg7[%dma_start3A_13] : memref<4096xi32, #tpu.memory_space<vmem_shared>> -> memref<4096xi32, #tpu.memory_space<vmem_shared>>
    tpu.enqueue_indirect_dma source(%arg10 : memref<128xi32, #tpu.memory_space<vmem>>) target(%dma_start3A_14 : memref<4096xi32, #tpu.memory_space<vmem_shared>>) offsets(%arg9 : memref<128xi32, #tpu.memory_space<vmem>>) semaphore(%arg15 : memref<!tpu.dma_semaphore, #tpu.memory_space<semaphore_mem>>)
    %dma_start3A_15 = arith.constant 0 : i32
    %dma_start3A_16 = tpu.memref_slice %arg8[%dma_start3A_15] : memref<4096xi32, #tpu.memory_space<vmem_shared>> -> memref<4096xi32, #tpu.memory_space<vmem_shared>>
    tpu.enqueue_indirect_dma source(%arg11 : memref<128xi32, #tpu.memory_space<vmem>>) target(%dma_start3A_16 : memref<4096xi32, #tpu.memory_space<vmem_shared>>) offsets(%arg9 : memref<128xi32, #tpu.memory_space<vmem>>) semaphore(%arg16 : memref<!tpu.dma_semaphore, #tpu.memory_space<semaphore_mem>>)
    %dma_wait3A_17 = arith.constant 0 : i32
    %dma_wait3A_18 = tpu.memref_slice %arg7[%dma_wait3A_17] : memref<4096xi32, #tpu.memory_space<vmem_shared>> -> memref<4096xi32, #tpu.memory_space<vmem_shared>>
    tpu.wait_indirect_dma semaphore(%arg15 : memref<!tpu.dma_semaphore, #tpu.memory_space<semaphore_mem>>) src(%arg10 : memref<128xi32, #tpu.memory_space<vmem>>) dst(%dma_wait3A_18 : memref<4096xi32, #tpu.memory_space<vmem_shared>>)
    %dma_wait3A_19 = arith.constant 0 : i32
    %dma_wait3A_20 = tpu.memref_slice %arg8[%dma_wait3A_19] : memref<4096xi32, #tpu.memory_space<vmem_shared>> -> memref<4096xi32, #tpu.memory_space<vmem_shared>>
    tpu.wait_indirect_dma semaphore(%arg16 : memref<!tpu.dma_semaphore, #tpu.memory_space<semaphore_mem>>) src(%arg11 : memref<128xi32, #tpu.memory_space<vmem>>) dst(%dma_wait3A_20 : memref<4096xi32, #tpu.memory_space<vmem_shared>>)
    %barrier3A = arith.constant 0 : index
    tpu.barrier barrier_id(%barrier3A)
    %dma_start3A_21 = arith.constant 0 : i32
    %dma_start3A_22 = tpu.memref_slice %arg7[%dma_start3A_21] : memref<4096xi32, #tpu.memory_space<vmem_shared>> -> memref<4096xi32, #tpu.memory_space<vmem_shared>>
    tpu.enqueue_indirect_dma source(%dma_start3A_22 : memref<4096xi32, #tpu.memory_space<vmem_shared>>) target(%arg12 : memref<128xi32, #tpu.memory_space<vmem>>) offsets(%arg9 : memref<128xi32, #tpu.memory_space<vmem>>) semaphore(%arg15 : memref<!tpu.dma_semaphore, #tpu.memory_space<semaphore_mem>>)
    %dma_start3A_23 = arith.constant 0 : i32
    %dma_start3A_24 = tpu.memref_slice %arg8[%dma_start3A_23] : memref<4096xi32, #tpu.memory_space<vmem_shared>> -> memref<4096xi32, #tpu.memory_space<vmem_shared>>
    tpu.enqueue_indirect_dma source(%dma_start3A_24 : memref<4096xi32, #tpu.memory_space<vmem_shared>>) target(%arg13 : memref<128xi32, #tpu.memory_space<vmem>>) offsets(%arg9 : memref<128xi32, #tpu.memory_space<vmem>>) semaphore(%arg16 : memref<!tpu.dma_semaphore, #tpu.memory_space<semaphore_mem>>)
    %dma_wait3A_25 = arith.constant 0 : i32
    %dma_wait3A_26 = tpu.memref_slice %arg7[%dma_wait3A_25] : memref<4096xi32, #tpu.memory_space<vmem_shared>> -> memref<4096xi32, #tpu.memory_space<vmem_shared>>
    tpu.wait_indirect_dma semaphore(%arg15 : memref<!tpu.dma_semaphore, #tpu.memory_space<semaphore_mem>>) src(%dma_wait3A_26 : memref<4096xi32, #tpu.memory_space<vmem_shared>>) dst(%arg12 : memref<128xi32, #tpu.memory_space<vmem>>)
    %dma_wait3A_27 = arith.constant 0 : i32
    %dma_wait3A_28 = tpu.memref_slice %arg8[%dma_wait3A_27] : memref<4096xi32, #tpu.memory_space<vmem_shared>> -> memref<4096xi32, #tpu.memory_space<vmem_shared>>
    tpu.wait_indirect_dma semaphore(%arg16 : memref<!tpu.dma_semaphore, #tpu.memory_space<semaphore_mem>>) src(%dma_wait3A_28 : memref<4096xi32, #tpu.memory_space<vmem_shared>>) dst(%arg13 : memref<128xi32, #tpu.memory_space<vmem>>)
    %dma_start3A_29 = tpu.memref_slice %arg5[%mul3A_2] : memref<4096xi32, #tpu.memory_space<hbm>> -> memref<128xi32, #tpu.memory_space<hbm>>
    %dma_start3A_30 = tpu.memref_slice %arg5[%mul3A_2] : memref<4096xi32, #tpu.memory_space<hbm>> -> memref<128xi32, #tpu.memory_space<hbm>>
    tpu.enqueue_dma source(%arg12 : memref<128xi32, #tpu.memory_space<vmem>>) target(%dma_start3A_30 : memref<128xi32, #tpu.memory_space<hbm>>) target_semaphore(%arg15 : memref<!tpu.dma_semaphore, #tpu.memory_space<semaphore_mem>>)
    %dma_start3A_31 = tpu.memref_slice %arg6[%mul3A_2] : memref<4096xi32, #tpu.memory_space<hbm>> -> memref<128xi32, #tpu.memory_space<hbm>>
    %dma_start3A_32 = tpu.memref_slice %arg6[%mul3A_2] : memref<4096xi32, #tpu.memory_space<hbm>> -> memref<128xi32, #tpu.memory_space<hbm>>
    tpu.enqueue_dma source(%arg13 : memref<128xi32, #tpu.memory_space<vmem>>) target(%dma_start3A_32 : memref<128xi32, #tpu.memory_space<hbm>>) target_semaphore(%arg16 : memref<!tpu.dma_semaphore, #tpu.memory_space<semaphore_mem>>)
    %dma_wait3A_33 = tpu.memref_slice %arg5[%mul3A_2] : memref<4096xi32, #tpu.memory_space<hbm>> -> memref<128xi32, #tpu.memory_space<hbm>>
    %dma_wait3A_34 = tpu.memref_slice %arg5[%mul3A_2] : memref<4096xi32, #tpu.memory_space<hbm>> -> memref<128xi32, #tpu.memory_space<hbm>>
    tpu.wait_dma2 semaphore(%arg15 : memref<!tpu.dma_semaphore, #tpu.memory_space<semaphore_mem>>) src(%arg12 : memref<128xi32, #tpu.memory_space<vmem>>) dst(%dma_wait3A_34 : memref<128xi32, #tpu.memory_space<hbm>>)
    %dma_wait3A_35 = tpu.memref_slice %arg6[%mul3A_2] : memref<4096xi32, #tpu.memory_space<hbm>> -> memref<128xi32, #tpu.memory_space<hbm>>
    %dma_wait3A_36 = tpu.memref_slice %arg6[%mul3A_2] : memref<4096xi32, #tpu.memory_space<hbm>> -> memref<128xi32, #tpu.memory_space<hbm>>
    tpu.wait_dma2 semaphore(%arg16 : memref<!tpu.dma_semaphore, #tpu.memory_space<semaphore_mem>>) src(%arg13 : memref<128xi32, #tpu.memory_space<vmem>>) dst(%dma_wait3A_36 : memref<128xi32, #tpu.memory_space<hbm>>)
    return
  }
}

</mosaic_0001>

<sc_bundles>
// kernel: kernel.3.cloned.1.call-start
scs
__scs_entry_jumppad:
0x0: {  	(pc) =	sbr.rel $0x88, $3  }
0x1: {  	(tag) =	ssettag $0x0;
	lr =	simm.s32 $0x1  }
0x2: {  	[smem:$0x3F9F] =	sst lr;
	_ =	strace $0xD0000000  }
0x3: {  	_ = 	snop  }
0x4: {  	_ = 	snop  }
0x5: {  	_ = 	snop  }
0x6: {  	_ = 	snop  }
0x7: {  	_ = 	snop  }
__scs_overlays_trampoline_lowered:
0x8: {  	[smem:$0x3FAE] =	sst s0  }
0x9: {  	[smem:$0x3FAF] =	sst s1  }
0xa: {  	[smem:$0x3FB0] =	sst s2  }
0xb: {  	[smem:$0x3FB1] =	sst s3  }
0xc: {  	[smem:$0x3FB2] =	sst s4  }
0xd: {  	[smem:$0x3FB3] =	sst s5  }
0xe: {  	[smem:$0x3FB4] =	sst s6  }
0xf: {  	[smem:$0x3FB5] =	sst s7  }
0x10: {  	[smem:$0x3FB6] =	sst s8  }
0x11: {  	[smem:$0x3FB7] =	sst s9;
	s0 =	simm.s32 @!p0 $0x0  }
0x12: {  	s1 =	sld [smem:$0x3F9D];
	s0 =	simm.s32 @p0 $0x1  }
0x13: {  	[smem:$0x3FB8] =	sst s0;
	s0 =	simm.s32 @!p1 $0x0  }
0x14: {  	s2 =	sld [smem:$0x3F9C];
	s0 =	simm.s32 @p1 $0x1  }
0x15: {  	[smem:$0x3FB9] =	sst s0;
	s0 =	simm.s32 @!p2 $0x0  }
0x16: {  	s3 =	sld [smem:$0x3FDB];
	s0 =	simm.s32 @p2 $0x1  }
0x17: {  	s4 =	simm.s32 $0x1BF5;
	[smem:$0x3FBB] =	sst s0  }
0x18: {  	s0 =	sld [smem:$0x3F9E];
	_ =	swait.ge [sflag:s4], $0x0  }
0x19: {  	s7 =	sld [smem:$0x3F9F]  }
0x1a: {  	s8 =	sadd.s32 $0xFFFFE003, lr  }
0x1b: {  	s9 =	sadd.s32 $0xFFFFFEF7, lr;
	s5 =	simm.s32 $0xFFFFFFFF;
	p2 =	slt.u32 s8, $0xFFFFF086  }
0x1c: {  	p1 =	slt.u32 s9, $0xF7A;
	s5 =	simm.s32 @!p2 $0x0  }
0x1d: {  	s5 =	simm.s32 @p1 $0x1;
	p0 =	seq.s32 s7, s2  }
0x1e: {  	s7 =	smul.u32 @!p0 $0xF7A, s2;
	p2 =	seq.s32 @!p0 s5, $0x0  }
0x1f: {  	s9 =	smul.u32 $0xF7A, s1;
	s8 =	simm.s32 @!p0 $0x1BF5;
	p2 =	por !p2, p0  }
0x20: {  	[sflag:s8] =	ssyncset.s32 @!p0 $0xFFFFF086;
	s6 =	sadd.s32 @!p0 s3, s7;
	s7 =	simm.s32 @!p0 $0x108  }
0x21: {  	s3 =	sadd.s32 s3, s9;
	s6 =	sadd.s32 @!p0 $0x88, s6;
	s7 =	simm.s32 @p2 $0x1082  }
0x22: {  	[simem:s7], [sflag:s8] =	dma.local @!p0 [hbm:s6], $0xF7A  }
0x23: {  	s9 =	sor.u32 $0xD0000000, s2;
	s6 =	simm.s32 $0x108;
	_ =	swait.ge @!p0 [sflag:s8], $0x0  }
0x24: {  	s3 =	sadd.s32 $0x88, s3;
	s6 =	simm.s32 @!p1 $0x1082;
	[sflag:s4] =	ssyncset.s32 $0xFFFFF086  }
0x25: {  	[simem:s6], [sflag:s4] =	dma.local [hbm:s3], $0xF7A  }
0x26: {  	[smem:$0x3F9F] =	sst s1;
	(tag) =	ssettag s2;
	_ =	strace s9  }
0x27: {  	s1 =	sld [smem:$0x3FAF]  }
0x28: {  	s2 =	sld [smem:$0x3FB0]  }
0x29: {  	s4 =	sld [smem:$0x3FB2]  }
0x2a: {  	p0 =	seq.s32 s5, $0x0;
	s5 =	sld [smem:$0x3FB3]  }
0x2b: {  	s6 =	sld [smem:$0x3FB4]  }
0x2c: {  	s7 =	sld [smem:$0x3FB5]  }
0x2d: {  	s3 =	simm.s32 $0x108;
	s8 =	sld [smem:$0x3FB6]  }
0x2e: {  	s3 =	simm.s32 @!p0 $0x1082;
	s9 =	sld [smem:$0x3FB7]  }
0x2f: {  	lr =	sadd.s32 s0, s3;
	s0 =	sld [smem:$0x3FAE]  }
0x30: {  	s3 =	sld [smem:$0x3FB1]  }
0x31: {  	[smem:$0x3FBA] =	sst s10  }
0x32: {  	s10 =	sld [smem:$0x3FB8];
	_ =	sdelay $0x3  }
0x33: {  	p0 =	seq.s32 s10, $0x1;
	s10 =	sld [smem:$0x3FBA];
	_ =	sdelay $0x3  }
0x34: {  	[smem:$0x3FBA] =	sst s10  }
0x35: {  	s10 =	sld [smem:$0x3FB9];
	_ =	sdelay $0x3  }
0x36: {  	p1 =	seq.s32 s10, $0x1;
	s10 =	sld [smem:$0x3FBA];
	_ =	sdelay $0x3  }
0x37: {  	[smem:$0x3FBA] =	sst s10  }
0x38: {  	s10 =	sld [smem:$0x3FBB]  }
0x39: {  	_ = 	snop;
	(pc) =	sbr.ind lr, $3  }
0x3a: {  	_ = 	snop  }
0x3b: {  	_ = 	snop  }
0x3c: {  	p2 =	seq.s32 s10, $0x1;
	s10 =	sld [smem:$0x3FBA]  }
0x3d: {  	_ =	shalt  }
0x3e: {  	_ =	shalt  }
0x3f: {  	_ =	shalt  }
0x40: {  	_ =	shalt  }
0x41: {  	_ =	shalt  }
0x42: {  	_ =	shalt  }
0x43: {  	_ =	shalt  }
0x44: {  	_ =	shalt  }
0x45: {  	_ =	shalt  }
0x46: {  	_ =	shalt  }
0x47: {  	_ =	shalt  }
0x48: {  	_ =	shalt  }
0x49: {  	_ =	shalt  }
0x4a: {  	_ =	shalt  }
0x4b: {  	_ =	shalt  }
0x4c: {  	_ =	shalt  }
0x4d: {  	_ =	shalt  }
0x4e: {  	_ =	shalt  }
0x4f: {  	_ =	shalt  }
0x50: {  	_ =	shalt  }
0x51: {  	_ =	shalt  }
0x52: {  	_ =	shalt  }
0x53: {  	_ =	shalt  }
0x54: {  	_ =	shalt  }
0x55: {  	_ =	shalt  }
0x56: {  	_ =	shalt  }
0x57: {  	_ =	shalt  }
0x58: {  	_ =	shalt  }
0x59: {  	_ =	shalt  }
0x5a: {  	_ =	shalt  }
0x5b: {  	_ =	shalt  }
0x5c: {  	_ =	shalt  }
0x5d: {  	_ =	shalt  }
0x5e: {  	_ =	shalt  }
0x5f: {  	_ =	shalt  }
0x60: {  	_ =	shalt  }
0x61: {  	_ =	shalt  }
0x62: {  	_ =	shalt  }
0x63: {  	_ =	shalt  }
0x64: {  	_ =	shalt  }
0x65: {  	_ =	shalt  }
0x66: {  	_ =	shalt  }
0x67: {  	_ =	shalt  }
0x68: {  	_ =	shalt  }
0x69: {  	_ =	shalt  }
0x6a: {  	_ =	shalt  }
0x6b: {  	_ =	shalt  }
0x6c: {  	_ =	shalt  }
0x6d: {  	_ =	shalt  }
0x6e: {  	_ =	shalt  }
0x6f: {  	_ =	shalt  }
0x70: {  	_ =	shalt  }
0x71: {  	_ =	shalt  }
0x72: {  	_ =	shalt  }
0x73: {  	_ =	shalt  }
0x74: {  	_ =	shalt  }
0x75: {  	_ =	shalt  }
0x76: {  	_ =	shalt  }
0x77: {  	_ =	shalt  }
0x78: {  	_ =	shalt  }
0x79: {  	_ =	shalt  }
0x7a: {  	_ =	shalt  }
0x7b: {  	_ =	shalt  }
0x7c: {  	_ =	shalt  }
0x7d: {  	_ =	shalt  }
0x7e: {  	_ =	shalt  }
0x7f: {  	_ =	shalt  }
0x80: {  	_ =	shalt  }
0x81: {  	_ =	shalt  }
0x82: {  	_ =	shalt  }
0x83: {  	_ =	shalt  }
0x84: {  	_ =	shalt  }
0x85: {  	_ =	shalt  }
0x86: {  	_ =	shalt  }
0x87: {  	_ =	shalt  }
.Lfunc_end0:
.L_simem_size_0:
called_computation_lowered:
.L_overlay_start_0:
0x88: {  	s2 =	sld [smem:$0x3FD9]  }
0x89: {  	s3 =	sld [smem:$0x3FFE];
	_ =	sdelay $0x1  }
0x8a: {  	s1 =	srdreg.scid  }
0x8b: {  	s0 =	sand.u32 $0x1, s1  }
0x8c: {  	s17 =	sshll.u32 s0, $0xA;
	s2 =	sadd.s32 s3, s2  }
0x8d: {  	s2 =	sadd.s32 s2, s17  }
0x8e: {  	[smem:$0x3FC6] =	sst s2  }
0x8f: {  	_ = 	snop  }
0x90: {  	s2 =	sld [smem:$0x3FD0];
	(tm) =	ssettm $0x1  }
0x91: {  	s18 =	sld [smem:$0x3FFB];
	_ =	sdelay $0x3  }
0x92: {  	_ =	strace s18  }
0x93: {  	s3 =	sld [smem:$0x3FFC];
	_ =	sdelay $0x3  }
0x94: {  	_ =	strace s3  }
0x95: {  	s3 =	sld [smem:$0x3FFD];
	_ =	sdelay $0x3  }
0x96: {  	_ =	strace s3  }
0x97: {  	_ =	strace $0x8FFFFFFF  }
0x98: {  	s19 =	sld [smem:$0x3FDB];
	_ =	sdelay $0x1  }
0x99: {  	s4 =	simm.s32 $_scs_section_size  }
0x9a: {  	s5 =	simm.s32 $_size__tile_overlayer_lowered;
	s6 =	simm.s32 $_tile_overlayer_lowered  }
0x9b: {  	s22 =	simm.s32 $0x1BFF;
	s21 =	sshll.u32 s6, $0x1;
	s3 =	sadd.s32 s4, s19  }
0x9c: {  	s7 =	simm.s32 $0x0;
	s20 =	sshll.u32 s5, $0x1;
	s5 =	sadd.s32 s21, s3  }
0x9d: {  	[timem:s7], [sflag:s22] =	dma.local [hbm:s5], s20  }
0x9e: {  	_ =	swait.ge [sflag:s22], s20  }
0x9f: {  	s4 =	ssub.s32 $0x0, s20;
	[sflag:s22] =	ssyncset.done $0x0  }
0xa0: {  	[sflag:s22] =	ssyncadd.s32 s4;
	_ =	sdelay $0x1  }
0xa1: {  	s23 =	simm.s32 $0x1B8B  }
0xa2: {  	_ =	swait.ge [sflag:s23], $0x1  }
0xa3: {  	[sflag:s23] =	ssyncset.done $0x0  }
0xa4: {  	s25 =	simm.s32 $0x1B8E;
	s24 =	sld [smem:$0x3FFE];
	[sflag:s23] =	ssyncadd.s32 $0xFFFFFFFF  }
0xa5: {  	s26 =	simm.s32 $execute0_lowered;
	[smem:$0x3FD2] =	sst s25  }
0xa6: {  	s5 =	sshll.u32 s26, $0x1;
	_ =	strace $0x80000046;
	[dreg:$0x1] =	wrdreg $0xFFFFFFFF  }
0xa7: {  	s28 =	simm.s32 $_size_execute0_lowered;
	s3 =	sadd.s32 s3, s5;
	[dreg:$0x0] =	wrdreg $0x0  }
0xa8: {  	s5 =	sshll.u32 s28, $0x1;
	[dreg:$0x2] =	wrdreg s3  }
0xa9: {  	[dreg:$0x3] =	wrdreg s5  }
0xaa: {  	[dreg:$0x4] =	wrdreg $0xC0  }
0xab: {  	_ =	task [dreg:s7], $0x5FFFF  }
0xac: {  	[dreg:$0x1] =	wrdreg $0xFFFFFFFF  }
0xad: {  	[dreg:$0x0] =	wrdreg $0x60  }
0xae: {  	[dreg:$0x2] =	wrdreg s2  }
0xaf: {  	[dreg:$0x3] =	wrdreg s24  }
0xb0: {  	[dreg:$0x4] =	wrdreg $0x0  }
0xb1: {  	[dreg:$0x5] =	wrdreg $0x1000  }
0xb2: {  	[dreg:$0x6] =	wrdreg $0x9  }
0xb3: {  	_ =	task.clear_ibuf [dreg:s7], $0x7FFFF;
	_ =	strace $0x90000046  }
0xb4: {  	s29 =	simm.s32 $0x9;
	_ =	strace $0x80000048  }
0xb5: {  	_ =	swait.ge [sflag:s29], $0x1  }
0xb6: {  	[sflag:s29] =	ssyncadd.s32 $0xFFFFFFFF  }
0xb7: {  	_ =	strace $0x90000048  }
0xb8: {  	_ =	sfence  }
0xb9: {  	s30 =	sld [smem:$0x0];
	_ =	sdelay $0x2  }
0xba: {  	s31 =	sshll.u32 s1, $0xD;
	s1 =	sshrl.u32 s1, $0x2  }
0xbb: {  	s3 =	sand.u32 $0x4000, s31;
	s1 =	sadd.s32 s1, s30  }
0xbc: {  	s0 =	sor.u32 s3, s0;
	s1 =	sshll.u32 s1, $0x11  }
0xbd: {  	s0 =	sor.u32 s1, s0  }
0xbe: {  	s0 =	sadd.s32 $0x8F2B, s0  }
0xbf: {  	[sflag:s0] =	ssyncadd.remote.s32 $0x1  }
0xc0: {  	_ =	sfence.sel $0xFFFF  }
0xc1: {  	[dreg:$0x0] =	wrdreg $0xFFFFFFFF;
	(pc) =	sbr.abs _section_cstart, $3  }
0xc2: {  	[dreg:$0x1] =	wrdreg $0xFFFFFFFF  }
0xc3: {  	_ =	task.clear_ibuf [dreg:s7], $0x2FFFF;
	_ =	strace $0x9FFFFFFF  }
0xc4: {  	(tm) =	ssettm $0x7FFFFFFF  }
0xc5: {  	_ =	shalt  }
tec
execute0_lowered:
.L_overlay_start_1:
0x0: {  	(tag) =	ssettag $0x1  }
0x1: {  	s5 =	rddreg [dreg:$0x0]  }
0x2: {  	s6 =	rddreg [dreg:$0x1]  }
0x3: {  	s2 =	rddreg [dreg:$0x2]  }
0x4: {  	s3 =	rddreg [dreg:$0x3];
	s7 =	srdreg.scid  }
0x5: {  	s4 =	simm.s32 $0x0;
	s1 =	stileid.u32;
	s18 =	sand.u32 $0x1, s7  }
0x6: {  	[smem:$0x7FF] =	sst s4;
	s8 =	sshll.u32 s1, $0x4;
	s7 =	sshll.u32 s18, $0x8  }
0x7: {  	s0 =	rddreg [dreg:$0x4];
	_ =	strace $0x80000047;
	s7 =	sor.u32 s8, s7  }
0x8: {  	s5 =	sadd.s32 s5, s7;
	s6 =	sadd.s32 s6, s7;
	s7 =	simm.s32 $0x200  }
0x9: {  	[tilespmem:s7], [sflag:$0x1] =	stream.linear.gather [hbm4b:s5+s4], $0x80, $0x38;
	[tilespmem:$0x480] =	vst v63  }
0xa: {  	s9 =	simm.s32 $0x280;
	s8 =	sadd.s32 $0x200, s6  }
0xb: {  	[tilespmem:s9], [sflag:$0x2] =	stream.linear.gather [hbm4b:s8+s4], $0x80, $0x38;
	[tilespmem:$0x480] =	vst v63  }
0xc: {  	s10 =	simm.s32 $0x300;
	s11 =	simm.s32 $0x1  }
0xd: {  	[tilespmem:s10], [sflag:$0x3] =	stream.linear.gather [hbm4b:s6+s4], $0x80, $0x38;
	[tilespmem:$0x480] =	vst v63  }
0xe: {  	_ =	swait.ge [sflag:s11], $0x80  }
0xf: {  	[sflag:s11] =	ssyncset.done $0x0  }
0x10: {  	s12 =	simm.s32 $0x2;
	[sflag:s11] =	ssyncadd.s32 $0xFFFFFF80  }
0x11: {  	_ =	swait.ge [sflag:s12], $0x80  }
0x12: {  	[sflag:s12] =	ssyncset.done $0x0  }
0x13: {  	s13 =	simm.s32 $0x3;
	[sflag:s12] =	ssyncadd.s32 $0xFFFFFF80  }
0x14: {  	_ =	swait.ge [sflag:s13], $0x80  }
0x15: {  	[sflag:s13] =	ssyncset.done $0x0  }
0x16: {  	s14 =	simm.s32 $0x80;
	[sflag:s13] =	ssyncadd.s32 $0xFFFFFF80  }
0x17: {  	[spmem:s2] =	stream.indirect.scatter [tilespmem:s9], [sflag:$0x2], $0x1, s7, s14, $0xb8;
	[tilespmem:$0x480] =	vst v63  }
0x18: {  	_ = 	snop  }
0x19: {  	[spmem:s3] =	stream.indirect.scatter [tilespmem:s10], [sflag:$0x3], $0x1, s7, s14, $0xb8;
	[tilespmem:$0x480] =	vst v63  }
0x1a: {  	_ =	swait.ge [sflag:s12], $0x80  }
0x1b: {  	[sflag:s12] =	ssyncset.done $0x0  }
0x1c: {  	[sflag:s12] =	ssyncadd.s32 $0xFFFFFF80  }
0x1d: {  	_ =	swait.ge [sflag:s13], $0x80  }
0x1e: {  	[sflag:s13] =	ssyncset.done $0x0  }
0x1f: {  	[sflag:s13] =	ssyncadd.s32 $0xFFFFFF80  }
0x20: {  	s15 =	simm.s32 $0x380;
	[bflag:$0x0] =	sbarrier.arrive $0xFFFF  }
0x21: {  	[tilespmem:s15], [sflag:$0x2] =	stream.indirect.gather [spmem:s2], $0x1, s7, s14, $0xb8;
	[tilespmem:$0x480] =	vst v63  }
0x22: {  	s16 =	simm.s32 $0x400  }
0x23: {  	[tilespmem:s16], [sflag:$0x3] =	stream.indirect.gather [spmem:s3], $0x1, s7, s14, $0xb8;
	[tilespmem:$0x480] =	vst v63  }
0x24: {  	_ =	swait.ge [sflag:s12], $0x80  }
0x25: {  	[sflag:s12] =	ssyncset.done $0x0  }
0x26: {  	s19 =	ssub.s32 $0x2, s18;
	[sflag:s12] =	ssyncadd.s32 $0xFFFFFF80  }
0x27: {  	s20 =	sshrl.u32 s19, $0x1;
	_ =	swait.ge [sflag:s13], $0x80  }
0x28: {  	s19 =	ssub.s32 s19, s20;
	[sflag:s13] =	ssyncset.done $0x0  }
0x29: {  	s17 =	sadd.s32 $0x400, s6;
	s19 =	smax.u32 s19, $0x1;
	[sflag:s13] =	ssyncadd.s32 $0xFFFFFF80  }
0x2a: {  	[hbm4b:s17+s4] =	stream.linear.scatter [tilespmem:s15], [sflag:$0x2], $0x80, $0x38;
	[tilespmem:$0x480] =	vst v63  }
0x2b: {  	s18 =	sadd.s32 $0x600, s6;
	p0 =	sne.s32 s19, $0x1  }
0x2c: {  	[hbm4b:s18+s4] =	stream.linear.scatter [tilespmem:s16], [sflag:$0x3], $0x80, $0x38;
	[tilespmem:$0x480] =	vst v63  }
.Ltmp0:
0x2d: {  	_ =	swait.ge [sflag:s12], $0x80;
	(pc) =	sbr.rel @!p0 .LBB2_2-.Ltmp0, $4  }
0x2e: {  	[sflag:s12] =	ssyncset.done $0x0  }
0x2f: {  	[sflag:s12] =	ssyncadd.s32 $0xFFFFFF80  }
0x30: {  	_ =	swait.ge [sflag:s13], $0x80  }
0x31: {  	s19 =	sadd.s32 $0xFFFFFFFF, s19;
	[sflag:s13] =	ssyncset.done $0x0  }
.LBB2_1:
0x32: {  	p0 =	sne.s32 s19, $0x1;
	s19 =	sadd.s32 $0xFFFFFFFF, s19;
	[sflag:s13] =	ssyncadd.s32 $0xFFFFFF80  }
0x33: {  	[tilespmem:s7], [sflag:$0x1] =	stream.linear.gather [hbm4b:s5+s4], $0x80, $0x38;
	[tilespmem:$0x480] =	vst v63  }
0x34: {  	_ = 	snop  }
0x35: {  	[tilespmem:s9], [sflag:$0x2] =	stream.linear.gather [hbm4b:s8+s4], $0x80, $0x38;
	[tilespmem:$0x480] =	vst v63  }
0x36: {  	_ = 	snop  }
0x37: {  	[tilespmem:s10], [sflag:$0x3] =	stream.linear.gather [hbm4b:s6+s4], $0x80, $0x38;
	[tilespmem:$0x480] =	vst v63  }
0x38: {  	_ =	swait.ge [sflag:s11], $0x80  }
0x39: {  	[sflag:s11] =	ssyncset.done $0x0  }
0x3a: {  	[sflag:s11] =	ssyncadd.s32 $0xFFFFFF80  }
0x3b: {  	_ =	swait.ge [sflag:s12], $0x80  }
0x3c: {  	[sflag:s12] =	ssyncset.done $0x0  }
0x3d: {  	[sflag:s12] =	ssyncadd.s32 $0xFFFFFF80  }
0x3e: {  	_ =	swait.ge [sflag:s13], $0x80  }
0x3f: {  	[sflag:s13] =	ssyncset.done $0x0  }
0x40: {  	[sflag:s13] =	ssyncadd.s32 $0xFFFFFF80  }
0x41: {  	[spmem:s2] =	stream.indirect.scatter [tilespmem:s9], [sflag:$0x2], $0x1, s7, s14, $0xb8;
	[tilespmem:$0x480] =	vst v63  }
0x42: {  	_ = 	snop  }
0x43: {  	[spmem:s3] =	stream.indirect.scatter [tilespmem:s10], [sflag:$0x3], $0x1, s7, s14, $0xb8;
	[tilespmem:$0x480] =	vst v63  }
0x44: {  	_ =	swait.ge [sflag:s12], $0x80  }
0x45: {  	[sflag:s12] =	ssyncset.done $0x0  }
0x46: {  	[sflag:s12] =	ssyncadd.s32 $0xFFFFFF80  }
0x47: {  	_ =	swait.ge [sflag:s13], $0x80  }
0x48: {  	[sflag:s13] =	ssyncset.done $0x0  }
0x49: {  	[sflag:s13] =	ssyncadd.s32 $0xFFFFFF80  }
0x4a: {  	[bflag:$0x0] =	sbarrier.arrive $0xFFFF  }
0x4b: {  	[tilespmem:s15], [sflag:$0x2] =	stream.indirect.gather [spmem:s2], $0x1, s7, s14, $0xb8;
	[tilespmem:$0x480] =	vst v63  }
0x4c: {  	_ = 	snop  }
0x4d: {  	[tilespmem:s16], [sflag:$0x3] =	stream.indirect.gather [spmem:s3], $0x1, s7, s14, $0xb8;
	[tilespmem:$0x480] =	vst v63  }
0x4e: {  	_ =	swait.ge [sflag:s12], $0x80  }
0x4f: {  	[sflag:s12] =	ssyncset.done $0x0  }
0x50: {  	[sflag:s12] =	ssyncadd.s32 $0xFFFFFF80  }
0x51: {  	_ =	swait.ge [sflag:s13], $0x80  }
0x52: {  	[sflag:s13] =	ssyncset.done $0x0  }
0x53: {  	[sflag:s13] =	ssyncadd.s32 $0xFFFFFF80  }
0x54: {  	[hbm4b:s17+s4] =	stream.linear.scatter [tilespmem:s15], [sflag:$0x2], $0x80, $0x38;
	[tilespmem:$0x480] =	vst v63  }
0x55: {  	_ = 	snop  }
0x56: {  	[hbm4b:s18+s4] =	stream.linear.scatter [tilespmem:s16], [sflag:$0x3], $0x80, $0x38;
	[tilespmem:$0x480] =	vst v63  }
.Ltmp1:
0x57: {  	_ =	swait.ge [sflag:s12], $0x80;
	(pc) =	sbr.rel @p0 .LBB2_1-.Ltmp1, $4  }
0x58: {  	[sflag:s12] =	ssyncset.done $0x0  }
0x59: {  	[sflag:s12] =	ssyncadd.s32 $0xFFFFFF80  }
0x5a: {  	_ =	swait.ge [sflag:s13], $0x80  }
0x5b: {  	[sflag:s13] =	ssyncset.done $0x0  }
.LBB2_2:
0x5c: {  	[sflag:s13] =	ssyncadd.s32 $0xFFFFFF80  }
0x5d: {  	_ =	sfence.sel $0x180000  }
0x5e: {  	[bflag:$0x0] =	sbarrier.arrive $0xFFFF  }
0x5f: {  	p0 =	sne.s32 s1, $0x0;
	_ =	strace $0x90000047  }
0x60: {  	s0 =	sadd.s32 @!p0 $0x100000, s0;
	[bflag:$0x2] =	sbarrier.arrive $0xFFFF  }
0x61: {  	[sflag:s0] =	ssyncadd.tile.s32 @!p0 $0x1;
	_ =	shalt  }
.Lfunc_end2:
_tile_overlayer_lowered:
.L_overlay_start_2:
0x62: {  	(tag) =	ssettag $0x2  }
0x63: {  	s0 =	rddreg [dreg:$0x0];
	s2 =	stileid.u32  }
0x64: {  	s1 =	rddreg [dreg:$0x1];
	p0 =	sne.s32 s2, $0x0  }
0x65: {  	s3 =	rddreg [dreg:$0x2];
	[bflag:$0x3] =	sbarrier.arrive $0xFFFF;
	s2 =	simm.s32 @!p0 $0x1C04  }
0x66: {  	[timem:s3], [sflag:s2] =	dma.local @!p0 [hbm:s0], s1  }
0x67: {  	s0 =	simm.s32 @!p0 $0x4  }
0x68: {  	_ =	swait.ge @!p0 [sflag:s0], s1  }
0x69: {  	s1 =	ssub.s32 @!p0 $0x0, s1;
	[sflag:s0] =	ssyncset.done @!p0 $0x0  }
0x6a: {  	[sflag:s0] =	ssyncadd.s32 @!p0 s1  }
0x6b: {  	[bflag:$0x3] =	sbarrier.arrive $0xFFFF  }
0x6c: {  	_ =	shalt  }

</sc_bundles>
